<compile_context>
chip_gen: v7x
topology: tpu7x:2x2x1
jax: 0.10.2.dev20260603
libtpu: 0.0.44.dev20260713+nightly
codegen_flags: <defaults>
</compile_context>

<pallas_src>
import math

import jax
import jax.numpy as jnp
from jax import lax
from jax.experimental import pallas as pl
from jax.experimental.pallas import tpu as pltpu
from jax.experimental.pallas import tpu_sc as plsc

D_MODEL = 64
SCALE = math.sqrt(D_MODEL)

NUM_CORES = 2
NUM_SUBCORES = 16
NW = NUM_CORES * NUM_SUBCORES

B_TOTAL = 4096 * 50
B_PER_W = B_TOTAL // NW
CHUNK = 640
N_CHUNKS = B_PER_W // CHUNK


def _emb_kernel(lut_hbm, idx_hbm, out_hbm, idx_v, rows_v, sem):
    wid = lax.axis_index("s") * NUM_CORES + lax.axis_index("c")
    base = wid * B_PER_W

    pltpu.sync_copy(idx_hbm.at[pl.ds(base, B_PER_W)], idx_v)

    def chunk_body(ci, _):
        pltpu.async_copy(
            lut_hbm.at[idx_v.at[pl.ds(ci * CHUNK, CHUNK)]], rows_v, sem
        ).wait()

        def mul_body(i, _):
            for j in range(D_MODEL // 16):
                sl = pl.ds(j * 16, 16)
                rows_v[i, sl] = rows_v[i, sl] * jnp.float32(SCALE)
            return 0

        lax.fori_loop(0, CHUNK, mul_body, 0, unroll=4)

        pltpu.sync_copy(rows_v, out_hbm.at[pl.ds(base + ci * CHUNK, CHUNK)])
        return 0

    lax.fori_loop(0, N_CHUNKS, chunk_body, 0)


@jax.jit
def kernel(x, lut):
    xf = x.reshape(-1).astype(jnp.int32)
    mesh = plsc.VectorSubcoreMesh(core_axis_name="c", subcore_axis_name="s")
    out = pl.kernel(
        _emb_kernel,
        out_type=jax.ShapeDtypeStruct((B_TOTAL, D_MODEL), jnp.float32),
        mesh=mesh,
        scratch_types=[
            pltpu.VMEM((B_PER_W,), jnp.int32),
            pltpu.VMEM((CHUNK, D_MODEL), jnp.float32),
            pltpu.SemaphoreType.DMA,
        ],
        compiler_params=pltpu.CompilerParams(use_tc_tiling_on_sc=False),
    )(lut, xf)
    return out.reshape(x.shape + (D_MODEL,))

# --- scband reference (transcript-rebuilt; emitter-appended) ---
"""Pipeline reference for scband-embeddings-1975684956560 (READ-ONLY COPY).

The authoritative reference and input builder live on the scoring server;
editing this copy changes nothing except your own understanding.
"""

import jax, jax.numpy as jnp
import numpy as np
import math

D_MODEL = 64
VSRC = 1000000

def setup_inputs(seed: int = 0) -> dict:
    key = jax.random.key(seed)
    k1, k2 = jax.random.split(key)
    x = jax.random.randint(k1, (4096, 50), 0, VSRC, dtype=jnp.int64) if jax.config.jax_enable_x64 else jax.random.randint(k1, (4096, 50), 0, VSRC, dtype=jnp.int32)
    lut = jax.random.normal(k2, (VSRC, D_MODEL), dtype=jnp.float32)
    return {"x": x, "lut": lut}

def reference(x, lut):
    # Embeddings.forward: self.lut(x) * math.sqrt(self.d_model)
    emb = jnp.take(lut, x, axis=0)
    return emb * math.sqrt(D_MODEL)

if __name__ == "__main__":
    import jax
    _d = setup_inputs()
    print(jax.jit(kernel)(*tuple(_d.values())))

</pallas_src>

<mosaic_0001>
#map = affine_map<(d0, d1) -> (0, 0)>
#map1 = affine_map<(d0, d1) -> (0)>
module attributes {stable_mosaic.version = 14 : i64} {
  func.func @_emb_kernel(%arg0: i32, %arg1: i32, %arg2: memref<1000000x64xf32, #tpu.memory_space<hbm>>, %arg3: memref<204800xi32, #tpu.memory_space<hbm>>, %arg4: memref<204800x64xf32, #tpu.memory_space<hbm>>, %arg5: memref<6400xi32, #tpu.memory_space<vmem>>, %arg6: memref<640x64xf32, #tpu.memory_space<vmem>>, %arg7: memref<!tpu.dma_semaphore, #tpu.memory_space<semaphore_mem>>) attributes {dimension_semantics = [#tpu.dimension_semantics<core_parallel>, #tpu.dimension_semantics<subcore_parallel>], iteration_bounds = array<i64: 2, 16>, scalar_prefetch = 0 : i64, scratch_operands = 3 : i64, tpu.core_type = #tpu.core_type<sc_vector_subcore>, window_params = [{transform_indices = #map}, {transform_indices = #map1}, {transform_indices = #map}]} {
    %mul3A = arith.constant 2 : i32
    %mul3A_0 = arith.muli %arg1, %mul3A : i32
    %add3A = arith.addi %mul3A_0, %arg0 : i32
    %mul3A_1 = arith.constant 6400 : i32
    %mul3A_2 = arith.muli %add3A, %mul3A_1 : i32
    "tpu.region"() ({
      %run_scoped3A = tpu.sem_alloc : memref<!tpu.dma_semaphore, #tpu.memory_space<semaphore_mem>>
      %dma_start3A = tpu.memref_slice %arg3[%mul3A_2] : memref<204800xi32, #tpu.memory_space<hbm>> -> memref<6400xi32, #tpu.memory_space<hbm>>
      %dma_start3A_9 = tpu.memref_slice %arg3[%mul3A_2] : memref<204800xi32, #tpu.memory_space<hbm>> -> memref<6400xi32, #tpu.memory_space<hbm>>
      tpu.enqueue_dma source(%dma_start3A_9 : memref<6400xi32, #tpu.memory_space<hbm>>) target(%arg5 : memref<6400xi32, #tpu.memory_space<vmem>>) target_semaphore(%run_scoped3A : memref<!tpu.dma_semaphore, #tpu.memory_space<semaphore_mem>>)
      %dma_wait3A = tpu.memref_slice %arg3[%mul3A_2] : memref<204800xi32, #tpu.memory_space<hbm>> -> memref<6400xi32, #tpu.memory_space<hbm>>
      %dma_wait3A_10 = tpu.memref_slice %arg3[%mul3A_2] : memref<204800xi32, #tpu.memory_space<hbm>> -> memref<6400xi32, #tpu.memory_space<hbm>>
      tpu.wait_dma2 semaphore(%run_scoped3A : memref<!tpu.dma_semaphore, #tpu.memory_space<semaphore_mem>>) src(%dma_wait3A_10 : memref<6400xi32, #tpu.memory_space<hbm>>) dst(%arg5 : memref<6400xi32, #tpu.memory_space<vmem>>)
      tpu.yield
    }) : () -> ()
    %scan3A = arith.constant 0 : i32
    %scan3A_3 = arith.constant 0 : i32
    %scan3A_4 = arith.constant 10 : i32
    %scan3A_5 = arith.addi %scan3A_3, %scan3A_4 : i32
    %scan3A_6 = arith.constant 1 : i32
    %scan3A_7 = scf.for %scan3A_9 = %scan3A_3 to %scan3A_5 step %scan3A_6 iter_args(%scan3A_10 = %scan3A) -> (i32)  : i32 {
      %mul3A_11 = arith.constant 640 : i32
      %mul3A_12 = arith.muli %scan3A_9, %mul3A_11 : i32
      %dma_start3A = tpu.memref_slice %arg5[%mul3A_12] : memref<6400xi32, #tpu.memory_space<vmem>> -> memref<640xi32, #tpu.memory_space<vmem>>
      %dma_start3A_13 = arith.constant 0 : i32
      %dma_start3A_14 = arith.constant 0 : i32
      %dma_start3A_15 = tpu.memref_slice %arg2[%dma_start3A_13, %dma_start3A_14] : memref<1000000x64xf32, #tpu.memory_space<hbm>> -> memref<1000000x64xf32, #tpu.memory_space<hbm>>
      tpu.enqueue_indirect_dma source(%dma_start3A_15 : memref<1000000x64xf32, #tpu.memory_space<hbm>>) target(%arg6 : memref<640x64xf32, #tpu.memory_space<vmem>>) offsets(%dma_start3A : memref<640xi32, #tpu.memory_space<vmem>>) semaphore(%arg7 : memref<!tpu.dma_semaphore, #tpu.memory_space<semaphore_mem>>)
      %dma_wait3A = tpu.memref_slice %arg5[%mul3A_12] : memref<6400xi32, #tpu.memory_space<vmem>> -> memref<640xi32, #tpu.memory_space<vmem>>
      %dma_wait3A_16 = arith.constant 0 : i32
      %dma_wait3A_17 = arith.constant 0 : i32
      %dma_wait3A_18 = tpu.memref_slice %arg2[%dma_wait3A_16, %dma_wait3A_17] : memref<1000000x64xf32, #tpu.memory_space<hbm>> -> memref<1000000x64xf32, #tpu.memory_space<hbm>>
      tpu.wait_indirect_dma semaphore(%arg7 : memref<!tpu.dma_semaphore, #tpu.memory_space<semaphore_mem>>) src(%dma_wait3A_18 : memref<1000000x64xf32, #tpu.memory_space<hbm>>) dst(%arg6 : memref<640x64xf32, #tpu.memory_space<vmem>>)
      %scan3A_19 = arith.constant 0 : i32
      %scan3A_20 = arith.constant 0 : i32
      %scan3A_21 = arith.constant 640 : i32
      %scan3A_22 = arith.addi %scan3A_20, %scan3A_21 : i32
      %scan3A_23 = arith.constant 4 : i32
      %scan3A_24 = scf.for %scan3A_30 = %scan3A_20 to %scan3A_22 step %scan3A_23 iter_args(%scan3A_31 = %scan3A_19) -> (i32)  : i32 {
        %get3A = arith.index_cast %scan3A_30 : i32 to index
        %get3A_32 = arith.constant 0 : index
        %get3A_33 = tpu.vector_load %arg6[%get3A, %get3A_32] {strides = array<i32>} : memref<640x64xf32, #tpu.memory_space<vmem>>, vector<1x16xf32>,
        %get3A_34 = vector.shape_cast %get3A_33 : vector<1x16xf32> to vector<16xf32>
        %mul3A_35 = arith.constant 8.000000e+00 : f32
        %mul3A_36 = vector.broadcast %mul3A_35 : f32 to vector<16xf32>
        %mul3A_37 = arith.mulf %get3A_34, %mul3A_36 : vector<16xf32>
        %swap3A = arith.index_cast %scan3A_30 : i32 to index
        %swap3A_38 = arith.constant 0 : index
        %swap3A_39 = tpu.vector_load %arg6[%swap3A, %swap3A_38] {strides = array<i32>} : memref<640x64xf32, #tpu.memory_space<vmem>>, vector<1x16xf32>,
        %swap3A_40 = vector.shape_cast %swap3A_39 : vector<1x16xf32> to vector<16xf32>
        %swap3A_41 = vector.shape_cast %mul3A_37 : vector<16xf32> to vector<1x16xf32>
        tpu.vector_store %arg6[%swap3A, %swap3A_38], %swap3A_41 {strides = array<i32>} : memref<640x64xf32, #tpu.memory_space<vmem>>, vector<1x16xf32>,
        %get3A_42 = arith.index_cast %scan3A_30 : i32 to index
        %get3A_43 = arith.constant 16 : index
        %get3A_44 = tpu.vector_load %arg6[%get3A_42, %get3A_43] {strides = array<i32>} : memref<640x64xf32, #tpu.memory_space<vmem>>, vector<1x16xf32>,
        %get3A_45 = vector.shape_cast %get3A_44 : vector<1x16xf32> to vector<16xf32>
        %mul3A_46 = arith.constant 8.000000e+00 : f32
        %mul3A_47 = vector.broadcast %mul3A_46 : f32 to vector<16xf32>
        %mul3A_48 = arith.mulf %get3A_45, %mul3A_47 : vector<16xf32>
        %swap3A_49 = arith.index_cast %scan3A_30 : i32 to index
        %swap3A_50 = arith.constant 16 : index
        %swap3A_51 = tpu.vector_load %arg6[%swap3A_49, %swap3A_50] {strides = array<i32>} : memref<640x64xf32, #tpu.memory_space<vmem>>, vector<1x16xf32>,
        %swap3A_52 = vector.shape_cast %swap3A_51 : vector<1x16xf32> to vector<16xf32>
        %swap3A_53 = vector.shape_cast %mul3A_48 : vector<16xf32> to vector<1x16xf32>
        tpu.vector_store %arg6[%swap3A_49, %swap3A_50], %swap3A_53 {strides = array<i32>} : memref<640x64xf32, #tpu.memory_space<vmem>>, vector<1x16xf32>,
        %get3A_54 = arith.index_cast %scan3A_30 : i32 to index
        %get3A_55 = arith.constant 32 : index
        %get3A_56 = tpu.vector_load %arg6[%get3A_54, %get3A_55] {strides = array<i32>} : memref<640x64xf32, #tpu.memory_space<vmem>>, vector<1x16xf32>,
        %get3A_57 = vector.shape_cast %get3A_56 : vector<1x16xf32> to vector<16xf32>
        %mul3A_58 = arith.constant 8.000000e+00 : f32
        %mul3A_59 = vector.broadcast %mul3A_58 : f32 to vector<16xf32>
        %mul3A_60 = arith.mulf %get3A_57, %mul3A_59 : vector<16xf32>
        %swap3A_61 = arith.index_cast %scan3A_30 : i32 to index
        %swap3A_62 = arith.constant 32 : index
        %swap3A_63 = tpu.vector_load %arg6[%swap3A_61, %swap3A_62] {strides = array<i32>} : memref<640x64xf32, #tpu.memory_space<vmem>>, vector<1x16xf32>,
        %swap3A_64 = vector.shape_cast %swap3A_63 : vector<1x16xf32> to vector<16xf32>
        %swap3A_65 = vector.shape_cast %mul3A_60 : vector<16xf32> to vector<1x16xf32>
        tpu.vector_store %arg6[%swap3A_61, %swap3A_62], %swap3A_65 {strides = array<i32>} : memref<640x64xf32, #tpu.memory_space<vmem>>, vector<1x16xf32>,
        %get3A_66 = arith.index_cast %scan3A_30 : i32 to index
        %get3A_67 = arith.constant 48 : index
        %get3A_68 = tpu.vector_load %arg6[%get3A_66, %get3A_67] {strides = array<i32>} : memref<640x64xf32, #tpu.memory_space<vmem>>, vector<1x16xf32>,
        %get3A_69 = vector.shape_cast %get3A_68 : vector<1x16xf32> to vector<16xf32>
        %mul3A_70 = arith.constant 8.000000e+00 : f32
        %mul3A_71 = vector.broadcast %mul3A_70 : f32 to vector<16xf32>
        %mul3A_72 = arith.mulf %get3A_69, %mul3A_71 : vector<16xf32>
        %swap3A_73 = arith.index_cast %scan3A_30 : i32 to index
        %swap3A_74 = arith.constant 48 : index
        %swap3A_75 = tpu.vector_load %arg6[%swap3A_73, %swap3A_74] {strides = array<i32>} : memref<640x64xf32, #tpu.memory_space<vmem>>, vector<1x16xf32>,
        %swap3A_76 = vector.shape_cast %swap3A_75 : vector<1x16xf32> to vector<16xf32>
        %swap3A_77 = vector.shape_cast %mul3A_72 : vector<16xf32> to vector<1x16xf32>
        tpu.vector_store %arg6[%swap3A_73, %swap3A_74], %swap3A_77 {strides = array<i32>} : memref<640x64xf32, #tpu.memory_space<vmem>>, vector<1x16xf32>,
        %scan3A_78 = arith.constant 0 : i32
        %scan3A_79 = arith.constant 1 : i32
        %scan3A_80 = arith.addi %scan3A_30, %scan3A_79 : i32
        %get3A_81 = arith.index_cast %scan3A_80 : i32 to index
        %get3A_82 = arith.constant 0 : index
        %get3A_83 = tpu.vector_load %arg6[%get3A_81, %get3A_82] {strides = array<i32>} : memref<640x64xf32, #tpu.memory_space<vmem>>, vector<1x16xf32>,
        %get3A_84 = vector.shape_cast %get3A_83 : vector<1x16xf32> to vector<16xf32>
        %mul3A_85 = arith.constant 8.000000e+00 : f32
        %mul3A_86 = vector.broadcast %mul3A_85 : f32 to vector<16xf32>
        %mul3A_87 = arith.mulf %get3A_84, %mul3A_86 : vector<16xf32>
        %swap3A_88 = arith.index_cast %scan3A_80 : i32 to index
        %swap3A_89 = arith.constant 0 : index
        %swap3A_90 = tpu.vector_load %arg6[%swap3A_88, %swap3A_89] {strides = array<i32>} : memref<640x64xf32, #tpu.memory_space<vmem>>, vector<1x16xf32>,
        %swap3A_91 = vector.shape_cast %swap3A_90 : vector<1x16xf32> to vector<16xf32>
        %swap3A_92 = vector.shape_cast %mul3A_87 : vector<16xf32> to vector<1x16xf32>
        tpu.vector_store %arg6[%swap3A_88, %swap3A_89], %swap3A_92 {strides = array<i32>} : memref<640x64xf32, #tpu.memory_space<vmem>>, vector<1x16xf32>,
        %get3A_93 = arith.index_cast %scan3A_80 : i32 to index
        %get3A_94 = arith.constant 16 : index
        %get3A_95 = tpu.vector_load %arg6[%get3A_93, %get3A_94] {strides = array<i32>} : memref<640x64xf32, #tpu.memory_space<vmem>>, vector<1x16xf32>,
        %get3A_96 = vector.shape_cast %get3A_95 : vector<1x16xf32> to vector<16xf32>
        %mul3A_97 = arith.constant 8.000000e+00 : f32
        %mul3A_98 = vector.broadcast %mul3A_97 : f32 to vector<16xf32>
        %mul3A_99 = arith.mulf %get3A_96, %mul3A_98 : vector<16xf32>
        %swap3A_100 = arith.index_cast %scan3A_80 : i32 to index
        %swap3A_101 = arith.constant 16 : index
        %swap3A_102 = tpu.vector_load %arg6[%swap3A_100, %swap3A_101] {strides = array<i32>} : memref<640x64xf32, #tpu.memory_space<vmem>>, vector<1x16xf32>,
        %swap3A_103 = vector.shape_cast %swap3A_102 : vector<1x16xf32> to vector<16xf32>
        %swap3A_104 = vector.shape_cast %mul3A_99 : vector<16xf32> to vector<1x16xf32>
        tpu.vector_store %arg6[%swap3A_100, %swap3A_101], %swap3A_104 {strides = array<i32>} : memref<640x64xf32, #tpu.memory_space<vmem>>, vector<1x16xf32>,
        %get3A_105 = arith.index_cast %scan3A_80 : i32 to index
        %get3A_106 = arith.constant 32 : index
        %get3A_107 = tpu.vector_load %arg6[%get3A_105, %get3A_106] {strides = array<i32>} : memref<640x64xf32, #tpu.memory_space<vmem>>, vector<1x16xf32>,
        %get3A_108 = vector.shape_cast %get3A_107 : vector<1x16xf32> to vector<16xf32>
        %mul3A_109 = arith.constant 8.000000e+00 : f32
        %mul3A_110 = vector.broadcast %mul3A_109 : f32 to vector<16xf32>
        %mul3A_111 = arith.mulf %get3A_108, %mul3A_110 : vector<16xf32>
        %swap3A_112 = arith.index_cast %scan3A_80 : i32 to index
        %swap3A_113 = arith.constant 32 : index
        %swap3A_114 = tpu.vector_load %arg6[%swap3A_112, %swap3A_113] {strides = array<i32>} : memref<640x64xf32, #tpu.memory_space<vmem>>, vector<1x16xf32>,
        %swap3A_115 = vector.shape_cast %swap3A_114 : vector<1x16xf32> to vector<16xf32>
        %swap3A_116 = vector.shape_cast %mul3A_111 : vector<16xf32> to vector<1x16xf32>
        tpu.vector_store %arg6[%swap3A_112, %swap3A_113], %swap3A_116 {strides = array<i32>} : memref<640x64xf32, #tpu.memory_space<vmem>>, vector<1x16xf32>,
        %get3A_117 = arith.index_cast %scan3A_80 : i32 to index
        %get3A_118 = arith.constant 48 : index
        %get3A_119 = tpu.vector_load %arg6[%get3A_117, %get3A_118] {strides = array<i32>} : memref<640x64xf32, #tpu.memory_space<vmem>>, vector<1x16xf32>,
        %get3A_120 = vector.shape_cast %get3A_119 : vector<1x16xf32> to vector<16xf32>
        %mul3A_121 = arith.constant 8.000000e+00 : f32
        %mul3A_122 = vector.broadcast %mul3A_121 : f32 to vector<16xf32>
        %mul3A_123 = arith.mulf %get3A_120, %mul3A_122 : vector<16xf32>
        %swap3A_124 = arith.index_cast %scan3A_80 : i32 to index
        %swap3A_125 = arith.constant 48 : index
        %swap3A_126 = tpu.vector_load %arg6[%swap3A_124, %swap3A_125] {strides = array<i32>} : memref<640x64xf32, #tpu.memory_space<vmem>>, vector<1x16xf32>,
        %swap3A_127 = vector.shape_cast %swap3A_126 : vector<1x16xf32> to vector<16xf32>
        %swap3A_128 = vector.shape_cast %mul3A_123 : vector<16xf32> to vector<1x16xf32>
        tpu.vector_store %arg6[%swap3A_124, %swap3A_125], %swap3A_128 {strides = array<i32>} : memref<640x64xf32, #tpu.memory_space<vmem>>, vector<1x16xf32>,
        %scan3A_129 = arith.constant 0 : i32
        %scan3A_130 = arith.constant 2 : i32
        %scan3A_131 = arith.addi %scan3A_30, %scan3A_130 : i32
        %get3A_132 = arith.index_cast %scan3A_131 : i32 to index
        %get3A_133 = arith.constant 0 : index
        %get3A_134 = tpu.vector_load %arg6[%get3A_132, %get3A_133] {strides = array<i32>} : memref<640x64xf32, #tpu.memory_space<vmem>>, vector<1x16xf32>,
        %get3A_135 = vector.shape_cast %get3A_134 : vector<1x16xf32> to vector<16xf32>
        %mul3A_136 = arith.constant 8.000000e+00 : f32
        %mul3A_137 = vector.broadcast %mul3A_136 : f32 to vector<16xf32>
        %mul3A_138 = arith.mulf %get3A_135, %mul3A_137 : vector<16xf32>
        %swap3A_139 = arith.index_cast %scan3A_131 : i32 to index
        %swap3A_140 = arith.constant 0 : index
        %swap3A_141 = tpu.vector_load %arg6[%swap3A_139, %swap3A_140] {strides = array<i32>} : memref<640x64xf32, #tpu.memory_space<vmem>>, vector<1x16xf32>,
        %swap3A_142 = vector.shape_cast %swap3A_141 : vector<1x16xf32> to vector<16xf32>
        %swap3A_143 = vector.shape_cast %mul3A_138 : vector<16xf32> to vector<1x16xf32>
        tpu.vector_store %arg6[%swap3A_139, %swap3A_140], %swap3A_143 {strides = array<i32>} : memref<640x64xf32, #tpu.memory_space<vmem>>, vector<1x16xf32>,
        %get3A_144 = arith.index_cast %scan3A_131 : i32 to index
        %get3A_145 = arith.constant 16 : index
        %get3A_146 = tpu.vector_load %arg6[%get3A_144, %get3A_145] {strides = array<i32>} : memref<640x64xf32, #tpu.memory_space<vmem>>, vector<1x16xf32>,
        %get3A_147 = vector.shape_cast %get3A_146 : vector<1x16xf32> to vector<16xf32>
        %mul3A_148 = arith.constant 8.000000e+00 : f32
        %mul3A_149 = vector.broadcast %mul3A_148 : f32 to vector<16xf32>
        %mul3A_150 = arith.mulf %get3A_147, %mul3A_149 : vector<16xf32>
        %swap3A_151 = arith.index_cast %scan3A_131 : i32 to index
        %swap3A_152 = arith.constant 16 : index
        %swap3A_153 = tpu.vector_load %arg6[%swap3A_151, %swap3A_152] {strides = array<i32>} : memref<640x64xf32, #tpu.memory_space<vmem>>, vector<1x16xf32>,
        %swap3A_154 = vector.shape_cast %swap3A_153 : vector<1x16xf32> to vector<16xf32>
        %swap3A_155 = vector.shape_cast %mul3A_150 : vector<16xf32> to vector<1x16xf32>
        tpu.vector_store %arg6[%swap3A_151, %swap3A_152], %swap3A_155 {strides = array<i32>} : memref<640x64xf32, #tpu.memory_space<vmem>>, vector<1x16xf32>,
        %get3A_156 = arith.index_cast %scan3A_131 : i32 to index
        %get3A_157 = arith.constant 32 : index
        %get3A_158 = tpu.vector_load %arg6[%get3A_156, %get3A_157] {strides = array<i32>} : memref<640x64xf32, #tpu.memory_space<vmem>>, vector<1x16xf32>,
        %get3A_159 = vector.shape_cast %get3A_158 : vector<1x16xf32> to vector<16xf32>
        %mul3A_160 = arith.constant 8.000000e+00 : f32
        %mul3A_161 = vector.broadcast %mul3A_160 : f32 to vector<16xf32>
        %mul3A_162 = arith.mulf %get3A_159, %mul3A_161 : vector<16xf32>
        %swap3A_163 = arith.index_cast %scan3A_131 : i32 to index
        %swap3A_164 = arith.constant 32 : index
        %swap3A_165 = tpu.vector_load %arg6[%swap3A_163, %swap3A_164] {strides = array<i32>} : memref<640x64xf32, #tpu.memory_space<vmem>>, vector<1x16xf32>,
        %swap3A_166 = vector.shape_cast %swap3A_165 : vector<1x16xf32> to vector<16xf32>
        %swap3A_167 = vector.shape_cast %mul3A_162 : vector<16xf32> to vector<1x16xf32>
        tpu.vector_store %arg6[%swap3A_163, %swap3A_164], %swap3A_167 {strides = array<i32>} : memref<640x64xf32, #tpu.memory_space<vmem>>, vector<1x16xf32>,
        %get3A_168 = arith.index_cast %scan3A_131 : i32 to index
        %get3A_169 = arith.constant 48 : index
        %get3A_170 = tpu.vector_load %arg6[%get3A_168, %get3A_169] {strides = array<i32>} : memref<640x64xf32, #tpu.memory_space<vmem>>, vector<1x16xf32>,
        %get3A_171 = vector.shape_cast %get3A_170 : vector<1x16xf32> to vector<16xf32>
        %mul3A_172 = arith.constant 8.000000e+00 : f32
        %mul3A_173 = vector.broadcast %mul3A_172 : f32 to vector<16xf32>
        %mul3A_174 = arith.mulf %get3A_171, %mul3A_173 : vector<16xf32>
        %swap3A_175 = arith.index_cast %scan3A_131 : i32 to index
        %swap3A_176 = arith.constant 48 : index
        %swap3A_177 = tpu.vector_load %arg6[%swap3A_175, %swap3A_176] {strides = array<i32>} : memref<640x64xf32, #tpu.memory_space<vmem>>, vector<1x16xf32>,
        %swap3A_178 = vector.shape_cast %swap3A_177 : vector<1x16xf32> to vector<16xf32>
        %swap3A_179 = vector.shape_cast %mul3A_174 : vector<16xf32> to vector<1x16xf32>
        tpu.vector_store %arg6[%swap3A_175, %swap3A_176], %swap3A_179 {strides = array<i32>} : memref<640x64xf32, #tpu.memory_space<vmem>>, vector<1x16xf32>,
        %scan3A_180 = arith.constant 0 : i32
        %scan3A_181 = arith.constant 3 : i32
        %scan3A_182 = arith.addi %scan3A_30, %scan3A_181 : i32
        %get3A_183 = arith.index_cast %scan3A_182 : i32 to index
        %get3A_184 = arith.constant 0 : index
        %get3A_185 = tpu.vector_load %arg6[%get3A_183, %get3A_184] {strides = array<i32>} : memref<640x64xf32, #tpu.memory_space<vmem>>, vector<1x16xf32>,
        %get3A_186 = vector.shape_cast %get3A_185 : vector<1x16xf32> to vector<16xf32>
        %mul3A_187 = arith.constant 8.000000e+00 : f32
        %mul3A_188 = vector.broadcast %mul3A_187 : f32 to vector<16xf32>
        %mul3A_189 = arith.mulf %get3A_186, %mul3A_188 : vector<16xf32>
        %swap3A_190 = arith.index_cast %scan3A_182 : i32 to index
        %swap3A_191 = arith.constant 0 : index
        %swap3A_192 = tpu.vector_load %arg6[%swap3A_190, %swap3A_191] {strides = array<i32>} : memref<640x64xf32, #tpu.memory_space<vmem>>, vector<1x16xf32>,
        %swap3A_193 = vector.shape_cast %swap3A_192 : vector<1x16xf32> to vector<16xf32>
        %swap3A_194 = vector.shape_cast %mul3A_189 : vector<16xf32> to vector<1x16xf32>
        tpu.vector_store %arg6[%swap3A_190, %swap3A_191], %swap3A_194 {strides = array<i32>} : memref<640x64xf32, #tpu.memory_space<vmem>>, vector<1x16xf32>,
        %get3A_195 = arith.index_cast %scan3A_182 : i32 to index
        %get3A_196 = arith.constant 16 : index
        %get3A_197 = tpu.vector_load %arg6[%get3A_195, %get3A_196] {strides = array<i32>} : memref<640x64xf32, #tpu.memory_space<vmem>>, vector<1x16xf32>,
        %get3A_198 = vector.shape_cast %get3A_197 : vector<1x16xf32> to vector<16xf32>
        %mul3A_199 = arith.constant 8.000000e+00 : f32
        %mul3A_200 = vector.broadcast %mul3A_199 : f32 to vector<16xf32>
        %mul3A_201 = arith.mulf %get3A_198, %mul3A_200 : vector<16xf32>
        %swap3A_202 = arith.index_cast %scan3A_182 : i32 to index
        %swap3A_203 = arith.constant 16 : index
        %swap3A_204 = tpu.vector_load %arg6[%swap3A_202, %swap3A_203] {strides = array<i32>} : memref<640x64xf32, #tpu.memory_space<vmem>>, vector<1x16xf32>,
        %swap3A_205 = vector.shape_cast %swap3A_204 : vector<1x16xf32> to vector<16xf32>
        %swap3A_206 = vector.shape_cast %mul3A_201 : vector<16xf32> to vector<1x16xf32>
        tpu.vector_store %arg6[%swap3A_202, %swap3A_203], %swap3A_206 {strides = array<i32>} : memref<640x64xf32, #tpu.memory_space<vmem>>, vector<1x16xf32>,
        %get3A_207 = arith.index_cast %scan3A_182 : i32 to index
        %get3A_208 = arith.constant 32 : index
        %get3A_209 = tpu.vector_load %arg6[%get3A_207, %get3A_208] {strides = array<i32>} : memref<640x64xf32, #tpu.memory_space<vmem>>, vector<1x16xf32>,
        %get3A_210 = vector.shape_cast %get3A_209 : vector<1x16xf32> to vector<16xf32>
        %mul3A_211 = arith.constant 8.000000e+00 : f32
        %mul3A_212 = vector.broadcast %mul3A_211 : f32 to vector<16xf32>
        %mul3A_213 = arith.mulf %get3A_210, %mul3A_212 : vector<16xf32>
        %swap3A_214 = arith.index_cast %scan3A_182 : i32 to index
        %swap3A_215 = arith.constant 32 : index
        %swap3A_216 = tpu.vector_load %arg6[%swap3A_214, %swap3A_215] {strides = array<i32>} : memref<640x64xf32, #tpu.memory_space<vmem>>, vector<1x16xf32>,
        %swap3A_217 = vector.shape_cast %swap3A_216 : vector<1x16xf32> to vector<16xf32>
        %swap3A_218 = vector.shape_cast %mul3A_213 : vector<16xf32> to vector<1x16xf32>
        tpu.vector_store %arg6[%swap3A_214, %swap3A_215], %swap3A_218 {strides = array<i32>} : memref<640x64xf32, #tpu.memory_space<vmem>>, vector<1x16xf32>,
        %get3A_219 = arith.index_cast %scan3A_182 : i32 to index
        %get3A_220 = arith.constant 48 : index
        %get3A_221 = tpu.vector_load %arg6[%get3A_219, %get3A_220] {strides = array<i32>} : memref<640x64xf32, #tpu.memory_space<vmem>>, vector<1x16xf32>,
        %get3A_222 = vector.shape_cast %get3A_221 : vector<1x16xf32> to vector<16xf32>
        %mul3A_223 = arith.constant 8.000000e+00 : f32
        %mul3A_224 = vector.broadcast %mul3A_223 : f32 to vector<16xf32>
        %mul3A_225 = arith.mulf %get3A_222, %mul3A_224 : vector<16xf32>
        %swap3A_226 = arith.index_cast %scan3A_182 : i32 to index
        %swap3A_227 = arith.constant 48 : index
        %swap3A_228 = tpu.vector_load %arg6[%swap3A_226, %swap3A_227] {strides = array<i32>} : memref<640x64xf32, #tpu.memory_space<vmem>>, vector<1x16xf32>,
        %swap3A_229 = vector.shape_cast %swap3A_228 : vector<1x16xf32> to vector<16xf32>
        %swap3A_230 = vector.shape_cast %mul3A_225 : vector<16xf32> to vector<1x16xf32>
        tpu.vector_store %arg6[%swap3A_226, %swap3A_227], %swap3A_230 {strides = array<i32>} : memref<640x64xf32, #tpu.memory_space<vmem>>, vector<1x16xf32>,
        %scan3A_231 = arith.constant 0 : i32
        scf.yield %scan3A_231 : i32
      }
      %scan3A_25 = arith.constant 640 : i32
      %mul3A_26 = arith.constant 640 : i32
      %mul3A_27 = arith.muli %scan3A_9, %mul3A_26 : i32
      %add3A_28 = arith.addi %mul3A_2, %mul3A_27 : i32
      "tpu.region"() ({
        %run_scoped3A = tpu.sem_alloc : memref<!tpu.dma_semaphore, #tpu.memory_space<semaphore_mem>>
        %dma_start3A_30 = arith.constant 0 : i32
        %dma_start3A_31 = tpu.memref_slice %arg4[%add3A_28, %dma_start3A_30] : memref<204800x64xf32, #tpu.memory_space<hbm>> -> memref<640x64xf32, #tpu.memory_space<hbm>>
        %dma_start3A_32 = arith.constant 0 : i32
        %dma_start3A_33 = tpu.memref_slice %arg4[%add3A_28, %dma_start3A_32] : memref<204800x64xf32, #tpu.memory_space<hbm>> -> memref<640x64xf32, #tpu.memory_space<hbm>>
        tpu.enqueue_dma source(%arg6 : memref<640x64xf32, #tpu.memory_space<vmem>>) target(%dma_start3A_33 : memref<640x64xf32, #tpu.memory_space<hbm>>) target_semaphore(%run_scoped3A : memref<!tpu.dma_semaphore, #tpu.memory_space<semaphore_mem>>)
        %dma_wait3A_34 = arith.constant 0 : i32
        %dma_wait3A_35 = tpu.memref_slice %arg4[%add3A_28, %dma_wait3A_34] : memref<204800x64xf32, #tpu.memory_space<hbm>> -> memref<640x64xf32, #tpu.memory_space<hbm>>
        %dma_wait3A_36 = arith.constant 0 : i32
        %dma_wait3A_37 = tpu.memref_slice %arg4[%add3A_28, %dma_wait3A_36] : memref<204800x64xf32, #tpu.memory_space<hbm>> -> memref<640x64xf32, #tpu.memory_space<hbm>>
        tpu.wait_dma2 semaphore(%run_scoped3A : memref<!tpu.dma_semaphore, #tpu.memory_space<semaphore_mem>>) src(%arg6 : memref<640x64xf32, #tpu.memory_space<vmem>>) dst(%dma_wait3A_37 : memref<640x64xf32, #tpu.memory_space<hbm>>)
        tpu.yield
      }) : () -> ()
      %scan3A_29 = arith.constant 0 : i32
      scf.yield %scan3A_29 : i32
    }
    %scan3A_8 = arith.constant 10 : i32
    return
  }
}

</mosaic_0001>

<sc_bundles>
// kernel: kernel.3.cloned.1.call-start
scs
__scs_entry_jumppad:
0x0: {  	(pc) =	sbr.rel $0x88, $3  }
0x1: {  	(tag) =	ssettag $0x0;
	lr =	simm.s32 $0x1  }
0x2: {  	[smem:$0x3F9F] =	sst lr;
	_ =	strace $0xD0000000  }
0x3: {  	_ = 	snop  }
0x4: {  	_ = 	snop  }
0x5: {  	_ = 	snop  }
0x6: {  	_ = 	snop  }
0x7: {  	_ = 	snop  }
__scs_overlays_trampoline_lowered:
0x8: {  	[smem:$0x3FAE] =	sst s0  }
0x9: {  	[smem:$0x3FAF] =	sst s1  }
0xa: {  	[smem:$0x3FB0] =	sst s2  }
0xb: {  	[smem:$0x3FB1] =	sst s3  }
0xc: {  	[smem:$0x3FB2] =	sst s4  }
0xd: {  	[smem:$0x3FB3] =	sst s5  }
0xe: {  	[smem:$0x3FB4] =	sst s6  }
0xf: {  	[smem:$0x3FB5] =	sst s7  }
0x10: {  	[smem:$0x3FB6] =	sst s8  }
0x11: {  	[smem:$0x3FB7] =	sst s9;
	s0 =	simm.s32 @!p0 $0x0  }
0x12: {  	s1 =	sld [smem:$0x3F9D];
	s0 =	simm.s32 @p0 $0x1  }
0x13: {  	[smem:$0x3FB8] =	sst s0;
	s0 =	simm.s32 @!p1 $0x0  }
0x14: {  	s2 =	sld [smem:$0x3F9C];
	s0 =	simm.s32 @p1 $0x1  }
0x15: {  	[smem:$0x3FB9] =	sst s0;
	s0 =	simm.s32 @!p2 $0x0  }
0x16: {  	s3 =	sld [smem:$0x3FDB];
	s0 =	simm.s32 @p2 $0x1  }
0x17: {  	s4 =	simm.s32 $0x1BF5;
	[smem:$0x3FBB] =	sst s0  }
0x18: {  	s0 =	sld [smem:$0x3F9E];
	_ =	swait.ge [sflag:s4], $0x0  }
0x19: {  	s7 =	sld [smem:$0x3F9F]  }
0x1a: {  	s8 =	sadd.s32 $0xFFFFE003, lr  }
0x1b: {  	s9 =	sadd.s32 $0xFFFFFEF7, lr;
	s5 =	simm.s32 $0xFFFFFFFF;
	p2 =	slt.u32 s8, $0xFFFFF086  }
0x1c: {  	p1 =	slt.u32 s9, $0xF7A;
	s5 =	simm.s32 @!p2 $0x0  }
0x1d: {  	s5 =	simm.s32 @p1 $0x1;
	p0 =	seq.s32 s7, s2  }
0x1e: {  	s7 =	smul.u32 @!p0 $0xF7A, s2;
	p2 =	seq.s32 @!p0 s5, $0x0  }
0x1f: {  	s9 =	smul.u32 $0xF7A, s1;
	s8 =	simm.s32 @!p0 $0x1BF5;
	p2 =	por !p2, p0  }
0x20: {  	[sflag:s8] =	ssyncset.s32 @!p0 $0xFFFFF086;
	s6 =	sadd.s32 @!p0 s3, s7;
	s7 =	simm.s32 @!p0 $0x108  }
0x21: {  	s3 =	sadd.s32 s3, s9;
	s6 =	sadd.s32 @!p0 $0x88, s6;
	s7 =	simm.s32 @p2 $0x1082  }
0x22: {  	[simem:s7], [sflag:s8] =	dma.local @!p0 [hbm:s6], $0xF7A  }
0x23: {  	s9 =	sor.u32 $0xD0000000, s2;
	s6 =	simm.s32 $0x108;
	_ =	swait.ge @!p0 [sflag:s8], $0x0  }
0x24: {  	s3 =	sadd.s32 $0x88, s3;
	s6 =	simm.s32 @!p1 $0x1082;
	[sflag:s4] =	ssyncset.s32 $0xFFFFF086  }
0x25: {  	[simem:s6], [sflag:s4] =	dma.local [hbm:s3], $0xF7A  }
0x26: {  	[smem:$0x3F9F] =	sst s1;
	(tag) =	ssettag s2;
	_ =	strace s9  }
0x27: {  	s1 =	sld [smem:$0x3FAF]  }
0x28: {  	s2 =	sld [smem:$0x3FB0]  }
0x29: {  	s4 =	sld [smem:$0x3FB2]  }
0x2a: {  	p0 =	seq.s32 s5, $0x0;
	s5 =	sld [smem:$0x3FB3]  }
0x2b: {  	s6 =	sld [smem:$0x3FB4]  }
0x2c: {  	s7 =	sld [smem:$0x3FB5]  }
0x2d: {  	s3 =	simm.s32 $0x108;
	s8 =	sld [smem:$0x3FB6]  }
0x2e: {  	s3 =	simm.s32 @!p0 $0x1082;
	s9 =	sld [smem:$0x3FB7]  }
0x2f: {  	lr =	sadd.s32 s0, s3;
	s0 =	sld [smem:$0x3FAE]  }
0x30: {  	s3 =	sld [smem:$0x3FB1]  }
0x31: {  	[smem:$0x3FBA] =	sst s10  }
0x32: {  	s10 =	sld [smem:$0x3FB8];
	_ =	sdelay $0x3  }
0x33: {  	p0 =	seq.s32 s10, $0x1;
	s10 =	sld [smem:$0x3FBA];
	_ =	sdelay $0x3  }
0x34: {  	[smem:$0x3FBA] =	sst s10  }
0x35: {  	s10 =	sld [smem:$0x3FB9];
	_ =	sdelay $0x3  }
0x36: {  	p1 =	seq.s32 s10, $0x1;
	s10 =	sld [smem:$0x3FBA];
	_ =	sdelay $0x3  }
0x37: {  	[smem:$0x3FBA] =	sst s10  }
0x38: {  	s10 =	sld [smem:$0x3FBB]  }
0x39: {  	_ = 	snop;
	(pc) =	sbr.ind lr, $3  }
0x3a: {  	_ = 	snop  }
0x3b: {  	_ = 	snop  }
0x3c: {  	p2 =	seq.s32 s10, $0x1;
	s10 =	sld [smem:$0x3FBA]  }
0x3d: {  	_ =	shalt  }
0x3e: {  	_ =	shalt  }
0x3f: {  	_ =	shalt  }
0x40: {  	_ =	shalt  }
0x41: {  	_ =	shalt  }
0x42: {  	_ =	shalt  }
0x43: {  	_ =	shalt  }
0x44: {  	_ =	shalt  }
0x45: {  	_ =	shalt  }
0x46: {  	_ =	shalt  }
0x47: {  	_ =	shalt  }
0x48: {  	_ =	shalt  }
0x49: {  	_ =	shalt  }
0x4a: {  	_ =	shalt  }
0x4b: {  	_ =	shalt  }
0x4c: {  	_ =	shalt  }
0x4d: {  	_ =	shalt  }
0x4e: {  	_ =	shalt  }
0x4f: {  	_ =	shalt  }
0x50: {  	_ =	shalt  }
0x51: {  	_ =	shalt  }
0x52: {  	_ =	shalt  }
0x53: {  	_ =	shalt  }
0x54: {  	_ =	shalt  }
0x55: {  	_ =	shalt  }
0x56: {  	_ =	shalt  }
0x57: {  	_ =	shalt  }
0x58: {  	_ =	shalt  }
0x59: {  	_ =	shalt  }
0x5a: {  	_ =	shalt  }
0x5b: {  	_ =	shalt  }
0x5c: {  	_ =	shalt  }
0x5d: {  	_ =	shalt  }
0x5e: {  	_ =	shalt  }
0x5f: {  	_ =	shalt  }
0x60: {  	_ =	shalt  }
0x61: {  	_ =	shalt  }
0x62: {  	_ =	shalt  }
0x63: {  	_ =	shalt  }
0x64: {  	_ =	shalt  }
0x65: {  	_ =	shalt  }
0x66: {  	_ =	shalt  }
0x67: {  	_ =	shalt  }
0x68: {  	_ =	shalt  }
0x69: {  	_ =	shalt  }
0x6a: {  	_ =	shalt  }
0x6b: {  	_ =	shalt  }
0x6c: {  	_ =	shalt  }
0x6d: {  	_ =	shalt  }
0x6e: {  	_ =	shalt  }
0x6f: {  	_ =	shalt  }
0x70: {  	_ =	shalt  }
0x71: {  	_ =	shalt  }
0x72: {  	_ =	shalt  }
0x73: {  	_ =	shalt  }
0x74: {  	_ =	shalt  }
0x75: {  	_ =	shalt  }
0x76: {  	_ =	shalt  }
0x77: {  	_ =	shalt  }
0x78: {  	_ =	shalt  }
0x79: {  	_ =	shalt  }
0x7a: {  	_ =	shalt  }
0x7b: {  	_ =	shalt  }
0x7c: {  	_ =	shalt  }
0x7d: {  	_ =	shalt  }
0x7e: {  	_ =	shalt  }
0x7f: {  	_ =	shalt  }
0x80: {  	_ =	shalt  }
0x81: {  	_ =	shalt  }
0x82: {  	_ =	shalt  }
0x83: {  	_ =	shalt  }
0x84: {  	_ =	shalt  }
0x85: {  	_ =	shalt  }
0x86: {  	_ =	shalt  }
0x87: {  	_ =	shalt  }
.Lfunc_end0:
.L_simem_size_0:
called_computation.1_lowered:
.L_overlay_start_0:
0x88: {  	s2 =	sld [smem:$0x3FD9]  }
0x89: {  	s3 =	sld [smem:$0x3FFE];
	_ =	sdelay $0x1  }
0x8a: {  	s1 =	srdreg.scid  }
0x8b: {  	s0 =	sand.u32 $0x1, s1  }
0x8c: {  	s17 =	sshll.u32 s0, $0xA;
	s2 =	sadd.s32 s3, s2  }
0x8d: {  	s2 =	sadd.s32 s2, s17  }
0x8e: {  	[smem:$0x3FC6] =	sst s2  }
0x8f: {  	_ = 	snop  }
0x90: {  	s2 =	sld [smem:$0x3FD0];
	(tm) =	ssettm $0x1  }
0x91: {  	s18 =	sld [smem:$0x3FFB];
	_ =	sdelay $0x3  }
0x92: {  	_ =	strace s18  }
0x93: {  	s3 =	sld [smem:$0x3FFC];
	_ =	sdelay $0x3  }
0x94: {  	_ =	strace s3  }
0x95: {  	s3 =	sld [smem:$0x3FFD];
	_ =	sdelay $0x3  }
0x96: {  	_ =	strace s3  }
0x97: {  	_ =	strace $0x8FFFFFFF  }
0x98: {  	s19 =	sld [smem:$0x3FDB];
	_ =	sdelay $0x1  }
0x99: {  	s4 =	simm.s32 $_scs_section_size  }
0x9a: {  	s5 =	simm.s32 $_size__tile_overlayer_lowered;
	s6 =	simm.s32 $_tile_overlayer_lowered  }
0x9b: {  	s22 =	simm.s32 $0x1BFF;
	s21 =	sshll.u32 s6, $0x1;
	s3 =	sadd.s32 s4, s19  }
0x9c: {  	s7 =	simm.s32 $0x0;
	s20 =	sshll.u32 s5, $0x1;
	s5 =	sadd.s32 s21, s3  }
0x9d: {  	[timem:s7], [sflag:s22] =	dma.local [hbm:s5], s20  }
0x9e: {  	_ =	swait.ge [sflag:s22], s20  }
0x9f: {  	s4 =	ssub.s32 $0x0, s20;
	[sflag:s22] =	ssyncset.done $0x0  }
0xa0: {  	[sflag:s22] =	ssyncadd.s32 s4;
	_ =	sdelay $0x1  }
0xa1: {  	s23 =	simm.s32 $0x1B8B  }
0xa2: {  	_ =	swait.ge [sflag:s23], $0x1  }
0xa3: {  	[sflag:s23] =	ssyncset.done $0x0  }
0xa4: {  	s25 =	simm.s32 $0x1B8E;
	s24 =	sld [smem:$0x3FFE];
	[sflag:s23] =	ssyncadd.s32 $0xFFFFFFFF  }
0xa5: {  	s26 =	simm.s32 $execute0_lowered;
	[smem:$0x3FD2] =	sst s25  }
0xa6: {  	s5 =	sshll.u32 s26, $0x1;
	_ =	strace $0x80000046;
	[dreg:$0x1] =	wrdreg $0xFFFFFFFF  }
0xa7: {  	s28 =	simm.s32 $_size_execute0_lowered;
	s3 =	sadd.s32 s3, s5;
	[dreg:$0x0] =	wrdreg $0x0  }
0xa8: {  	s5 =	sshll.u32 s28, $0x1;
	[dreg:$0x2] =	wrdreg s3  }
0xa9: {  	[dreg:$0x3] =	wrdreg s5  }
0xaa: {  	[dreg:$0x4] =	wrdreg $0xC0  }
0xab: {  	_ =	task [dreg:s7], $0x5FFFF  }
0xac: {  	[dreg:$0x1] =	wrdreg $0xFFFFFFFF  }
0xad: {  	[dreg:$0x0] =	wrdreg $0x60  }
0xae: {  	[dreg:$0x2] =	wrdreg s24  }
0xaf: {  	[dreg:$0x3] =	wrdreg s2  }
0xb0: {  	[dreg:$0x4] =	wrdreg $0x9  }
0xb1: {  	_ =	task.clear_ibuf [dreg:s7], $0x5FFFF;
	_ =	strace $0x90000046  }
0xb2: {  	s29 =	simm.s32 $0x9;
	_ =	strace $0x80000048  }
0xb3: {  	_ =	swait.ge [sflag:s29], $0x1  }
0xb4: {  	[sflag:s29] =	ssyncadd.s32 $0xFFFFFFFF  }
0xb5: {  	_ =	strace $0x90000048  }
0xb6: {  	_ =	sfence  }
0xb7: {  	s30 =	sld [smem:$0x0];
	_ =	sdelay $0x2  }
0xb8: {  	s31 =	sshll.u32 s1, $0xD;
	s1 =	sshrl.u32 s1, $0x2  }
0xb9: {  	s3 =	sand.u32 $0x4000, s31;
	s1 =	sadd.s32 s1, s30  }
0xba: {  	s0 =	sor.u32 s3, s0;
	s1 =	sshll.u32 s1, $0x11  }
0xbb: {  	s0 =	sor.u32 s1, s0  }
0xbc: {  	s0 =	sadd.s32 $0x8F2B, s0  }
0xbd: {  	[sflag:s0] =	ssyncadd.remote.s32 $0x1  }
0xbe: {  	_ =	sfence.sel $0xFFFF  }
0xbf: {  	[dreg:$0x0] =	wrdreg $0xFFFFFFFF;
	(pc) =	sbr.abs _section_cstart, $3  }
0xc0: {  	[dreg:$0x1] =	wrdreg $0xFFFFFFFF  }
0xc1: {  	_ =	task.clear_ibuf [dreg:s7], $0x2FFFF;
	_ =	strace $0x9FFFFFFF  }
0xc2: {  	(tm) =	ssettm $0x7FFFFFFF  }
0xc3: {  	_ =	shalt  }
tec
execute0_lowered:
.L_overlay_start_1:
0x0: {  	(tag) =	ssettag $0x1  }
0x1: {  	s1 =	srdreg.scid;
	s6 =	rddreg [dreg:$0x0]  }
0x2: {  	s0 =	stileid.u32;
	s2 =	rddreg [dreg:$0x1]  }
0x3: {  	s4 =	simm.s32 $0x0;
	s5 =	sand.u32 $0x1, s1;
	s31 =	sshll.u32 s0, $0x1  }
0x4: {  	s10 =	simm.s32 $0x1900;
	s11 =	simm.s32 $0x1;
	s1 =	sor.u32 s5, s31  }
0x5: {  	s12 =	simm.s32 $0x0;
	[smem:$0x7FF] =	sst s4;
	s3 =	smul.u32 $0x1900, s1  }
0x6: {  	s8 =	ssub.s32 $0x2, s5;
	s5 =	sadd.s32 $0xF42E00, s6;
	s1 =	rddreg [dreg:$0x2]  }
0x7: {  	_ =	strace $0x80000047;
	s9 =	sshrl.u32 s8, $0x1;
	s7 =	sshrl.u32 s3, $0x3  }
0x8: {  	s8 =	ssub.s32 s8, s9;
	s9 =	simm.s32 $0x280;
	s7 =	sadd.s32 s7, s6  }
0x9: {  	s6 =	sadd.s32 $0xA00, s7;
	s7 =	smax.u32 s8, $0x1;
	s8 =	simm.s32 $0x2  }
.LBB2_1:
0xa: {  	[tilespmem:s4], [sflag:$0x2] =	stream.linear.gather [hbm4b:s6+s4], $0x1900, $0x38;
	[tilespmem:$0xB900] =	vst v63  }
0xb: {  	_ =	swait.ge [sflag:s8], $0x1900  }
0xc: {  	[sflag:s8] =	ssyncset.done $0x0  }
0xd: {  	s13 =	simm.s32 $0x0;
	[sflag:s8] =	ssyncadd.s32 $0xFFFFE700  }
.LBB2_2:
0xe: {  	s14 =	smul.u32 $0x280, s13;
	_ =	sdelay $0x1  }
0xf: {  	[tilespmem:s10], [sflag:$0x1] =	stream.indirect.gather [hbm4b:s5+s9], $0x40, s14, s9, $0xb8;
	[tilespmem:$0xB900] =	vst v63  }
0x10: {  	_ =	swait.ge [sflag:s11], $0xA000  }
0x11: {  	[sflag:s11] =	ssyncset.done $0x0  }
0x12: {  	s15 =	simm.s32 $0x1980;
	[sflag:s11] =	ssyncadd.s32 $0xFFFF6000  }
0x13: {  	v0 =	vld [tilespmem:s15+$0xFFFFFF80]  }
0x14: {  	v1 =	vld [tilespmem:s15+$0xFFFFFF90]  }
0x15: {  	v2 =	vld [tilespmem:s15+$0xFFFFFFA0]  }
0x16: {  	v3 =	vld [tilespmem:s15+$0xFFFFFFB0]  }
0x17: {  	v4 =	vld [tilespmem:s15+$0xFFFFFFC0]  }
0x18: {  	v5 =	vld [tilespmem:s15+$0xFFFFFFD0];
	v0 =	vmul.f32 $8.000000000e+00, v0  }
0x19: {  	v6 =	vld [tilespmem:s15+$0xFFFFFFE0];
	v1 =	vmul.f32 $8.000000000e+00, v1  }
0x1a: {  	[tilespmem:s15+$0xFFFFFF80] =	vst v0;
	v0 =	vmul.f32 $8.000000000e+00, v2;
	v2 =	vld [tilespmem:s15+$0x0]  }
0x1b: {  	[tilespmem:s15+$0xFFFFFF90] =	vst v1;
	v1 =	vmul.f32 $8.000000000e+00, v3;
	v3 =	vld [tilespmem:s15+$0x10]  }
0x1c: {  	[tilespmem:s15+$0xFFFFFFA0] =	vst v0;
	v0 =	vmul.f32 $8.000000000e+00, v4;
	v4 =	vld [tilespmem:s15+$0x20]  }
0x1d: {  	v7 =	vld [tilespmem:s15+$0x30];
	[tilespmem:s15+$0xFFFFFFB0] =	vst v1;
	v1 =	vmul.f32 $8.000000000e+00, v5  }
0x1e: {  	v5 =	vmul.f32 $8.000000000e+00, v6;
	[tilespmem:s15+$0xFFFFFFC0] =	vst v0;
	v0 =	vld [tilespmem:s15+$0x40]  }
0x1f: {  	[tilespmem:s15+$0xFFFFFFD0] =	vst v1;
	v1 =	vld [tilespmem:s15+$0x50];
	v2 =	vmul.f32 $8.000000000e+00, v2  }
0x20: {  	[tilespmem:s15+$0xFFFFFFE0] =	vst v5;
	v6 =	vmul.f32 $8.000000000e+00, v3;
	v3 =	vld [tilespmem:s15+$0x60]  }
0x21: {  	[tilespmem:s15+$0x0] =	vst v2;
	v5 =	vmul.f32 $8.000000000e+00, v4;
	v4 =	vld [tilespmem:s15+$0x70]  }
0x22: {  	s16 =	simm.s32 $0x0;
	s17 =	simm.s32 $0x1A80;
	v2 =	vld [tilespmem:s15+$0xFFFFFFF0];
	[tilespmem:s15+$0x10] =	vst v6;
	v6 =	vmul.f32 $8.000000000e+00, v7  }
.LBB2_3:
0x23: {  	v7 =	vld [tilespmem:s17+$0xFFFFFF80];
	[tilespmem:s15+$0x20] =	vst v5;
	v0 =	vmul.f32 $8.000000000e+00, v0  }
0x24: {  	v5 =	vld [tilespmem:s17+$0xFFFFFF90];
	[tilespmem:s15+$0x30] =	vst v6;
	v1 =	vmul.f32 $8.000000000e+00, v1  }
0x25: {  	v6 =	vld [tilespmem:s17+$0xFFFFFFA0];
	[tilespmem:s15+$0x40] =	vst v0;
	v0 =	vmul.f32 $8.000000000e+00, v3  }
0x26: {  	v3 =	vld [tilespmem:s17+$0xFFFFFFB0];
	[tilespmem:s15+$0x50] =	vst v1;
	v1 =	vmul.f32 $8.000000000e+00, v4  }
0x27: {  	v4 =	vld [tilespmem:s17+$0xFFFFFFC0];
	v2 =	vmul.f32 $8.000000000e+00, v2;
	[tilespmem:s15+$0x60] =	vst v0  }
0x28: {  	v0 =	vmul.f32 $8.000000000e+00, v7;
	v7 =	vld [tilespmem:s17+$0xFFFFFFD0];
	[tilespmem:s15+$0x70] =	vst v1  }
0x29: {  	v1 =	vmul.f32 $8.000000000e+00, v5;
	v5 =	vld [tilespmem:s17+$0xFFFFFFE0];
	[tilespmem:s15+$0xFFFFFFF0] =	vst v2;
	s15 =	smov.u32 s17  }
0x2a: {  	[tilespmem:s17+$0xFFFFFF80] =	vst v0;
	v0 =	vmul.f32 $8.000000000e+00, v6;
	v2 =	vld [tilespmem:s17+$0x0]  }
0x2b: {  	[tilespmem:s17+$0xFFFFFF90] =	vst v1;
	v1 =	vmul.f32 $8.000000000e+00, v3;
	v3 =	vld [tilespmem:s17+$0x10]  }
0x2c: {  	s16 =	sadd.s32 $0x4, s16;
	[tilespmem:s17+$0xFFFFFFA0] =	vst v0;
	v0 =	vmul.f32 $8.000000000e+00, v4;
	v4 =	vld [tilespmem:s17+$0x20]  }
0x2d: {  	p0 =	slt.u32 s16, $0x27C;
	[tilespmem:s17+$0xFFFFFFB0] =	vst v1;
	v1 =	vmul.f32 $8.000000000e+00, v7;
	v6 =	vld [tilespmem:s17+$0x30]  }
.Ltmp0:
0x2e: {  	[tilespmem:s17+$0xFFFFFFC0] =	vst v0;
	v5 =	vmul.f32 $8.000000000e+00, v5;
	v0 =	vld [tilespmem:s17+$0x40];
	(pc) =	sbr.rel @p0 .LBB2_3-.Ltmp0, $4  }
0x2f: {  	[tilespmem:s17+$0xFFFFFFD0] =	vst v1;
	v2 =	vmul.f32 $8.000000000e+00, v2;
	v1 =	vld [tilespmem:s17+$0x50]  }
0x30: {  	[tilespmem:s17+$0xFFFFFFE0] =	vst v5;
	v7 =	vmul.f32 $8.000000000e+00, v3;
	v3 =	vld [tilespmem:s17+$0x60]  }
0x31: {  	[tilespmem:s17+$0x0] =	vst v2;
	v5 =	vmul.f32 $8.000000000e+00, v4;
	v4 =	vld [tilespmem:s17+$0x70]  }
0x32: {  	s17 =	sadd.s32 $0x100, s17;
	v2 =	vld [tilespmem:s15+$0xFFFFFFF0];
	[tilespmem:s15+$0x10] =	vst v7;
	v6 =	vmul.f32 $8.000000000e+00, v6  }
0x33: {  	[tilespmem:s15+$0x20] =	vst v5;
	v0 =	vmul.f32 $8.000000000e+00, v0  }
0x34: {  	[tilespmem:s15+$0x30] =	vst v6;
	v1 =	vmul.f32 $8.000000000e+00, v1  }
0x35: {  	[tilespmem:s15+$0x40] =	vst v0;
	v62 =	vmul.f32 $8.000000000e+00, v3  }
0x36: {  	[tilespmem:s15+$0x50] =	vst v1;
	v63 =	vmul.f32 $8.000000000e+00, v4  }
0x37: {  	s14 =	sadd.s32 s3, s14;
	s13 =	sadd.s32 $0x1, s13;
	v2 =	vmul.f32 $8.000000000e+00, v2;
	[tilespmem:s15+$0x60] =	vst v62  }
0x38: {  	s14 =	sshll.u32 s14, $0x3;
	p0 =	sne.s32 s13, $0xA;
	[tilespmem:s15+$0x70] =	vst v63  }
.Ltmp1:
0x39: {  	s14 =	sadd.s32 s2, s14;
	[tilespmem:s15+$0xFFFFFFF0] =	vst v2;
	(pc) =	sbr.rel @p0 .LBB2_2-.Ltmp1, $4  }
0x3a: {  	[hbm4b:s14+s4] =	stream.linear.scatter [tilespmem:s10], [sflag:$0x2], $0xA000, $0x38;
	[tilespmem:$0xB900] =	vst v63  }
0x3b: {  	_ =	swait.ge [sflag:s8], $0xA000  }
0x3c: {  	[sflag:s8] =	ssyncset.done $0x0  }
0x3d: {  	[sflag:s8] =	ssyncadd.s32 $0xFFFF6000  }
0x3e: {  	s12 =	sadd.s32 $0x1, s12  }
0x3f: {  	p0 =	sne.s32 s12, s7  }
.Ltmp2:
0x40: {  	_ = 	snop;
	(pc) =	sbr.rel @p0 .LBB2_1-.Ltmp2, $1  }
0x41: {  	_ =	sdelay $0x3  }
0x42: {  	_ =	sfence.sel $0x180000  }
0x43: {  	[bflag:$0x0] =	sbarrier.arrive $0xFFFF  }
0x44: {  	p0 =	sne.s32 s0, $0x0;
	_ =	strace $0x90000047  }
0x45: {  	s0 =	sadd.s32 @!p0 $0x100000, s1;
	[bflag:$0x2] =	sbarrier.arrive $0xFFFF  }
0x46: {  	[sflag:s0] =	ssyncadd.tile.s32 @!p0 $0x1;
	_ =	shalt  }
.Lfunc_end2:
_tile_overlayer_lowered:
.L_overlay_start_2:
0x47: {  	(tag) =	ssettag $0x2  }
0x48: {  	s0 =	rddreg [dreg:$0x0];
	s2 =	stileid.u32  }
0x49: {  	s1 =	rddreg [dreg:$0x1];
	p0 =	sne.s32 s2, $0x0  }
0x4a: {  	s3 =	rddreg [dreg:$0x2];
	[bflag:$0x3] =	sbarrier.arrive $0xFFFF;
	s2 =	simm.s32 @!p0 $0x1C02  }
0x4b: {  	[timem:s3], [sflag:s2] =	dma.local @!p0 [hbm:s0], s1  }
0x4c: {  	s0 =	simm.s32 @!p0 $0x2  }
0x4d: {  	_ =	swait.ge @!p0 [sflag:s0], s1  }
0x4e: {  	s1 =	ssub.s32 @!p0 $0x0, s1;
	[sflag:s0] =	ssyncset.done @!p0 $0x0  }
0x4f: {  	[sflag:s0] =	ssyncadd.s32 @!p0 s1  }
0x50: {  	[bflag:$0x3] =	sbarrier.arrive $0xFFFF  }
0x51: {  	_ =	shalt  }

// kernel: sparse-core-data-format-call.cloned.1.call-start
scs
called_computation_lowered:
.L_overlay_start_0:
0x0: {  	s2 =	sld [smem:$0x3FD9]  }
0x1: {  	s3 =	sld [smem:$0x3FFE];
	_ =	sdelay $0x1  }
0x2: {  	s1 =	srdreg.scid  }
0x3: {  	s0 =	sand.u32 $0x1, s1  }
0x4: {  	s18 =	sshll.u32 s0, $0xA;
	s2 =	sadd.s32 s3, s2  }
0x5: {  	s2 =	sadd.s32 s2, s18  }
0x6: {  	[smem:$0x3FC6] =	sst s2  }
0x7: {  	_ = 	snop  }
0x8: {  	s2 =	sld [smem:$0x3FD0];
	(tm) =	ssettm $0x1  }
0x9: {  	s19 =	sld [smem:$0x3FFB];
	_ =	sdelay $0x3  }
0xa: {  	_ =	strace s19  }
0xb: {  	s3 =	sld [smem:$0x3FFC];
	_ =	sdelay $0x3  }
0xc: {  	_ =	strace s3  }
0xd: {  	s3 =	sld [smem:$0x3FFD];
	_ =	sdelay $0x3  }
0xe: {  	_ =	strace s3  }
0xf: {  	_ =	strace $0x8FFFFFFF  }
0x10: {  	s20 =	sld [smem:$0x3FDB];
	_ =	sdelay $0x1  }
0x11: {  	s4 =	simm.s32 $_scs_section_size  }
0x12: {  	s5 =	simm.s32 $_size__tile_overlayer_lowered;
	s6 =	simm.s32 $_tile_overlayer_lowered  }
0x13: {  	s23 =	simm.s32 $0x1BFF;
	s22 =	sshll.u32 s6, $0x1;
	s3 =	sadd.s32 s4, s20  }
0x14: {  	s7 =	simm.s32 $0x0;
	s21 =	sshll.u32 s5, $0x1;
	s5 =	sadd.s32 s22, s3  }
0x15: {  	[timem:s7], [sflag:s23] =	dma.local [hbm:s5], s21  }
0x16: {  	_ =	swait.ge [sflag:s23], s21  }
0x17: {  	s4 =	ssub.s32 $0x0, s21;
	[sflag:s23] =	ssyncset.done $0x0  }
0x18: {  	[sflag:s23] =	ssyncadd.s32 s4;
	_ =	sdelay $0x1  }
0x19: {  	s24 =	simm.s32 $0x1B8B  }
0x1a: {  	_ =	swait.ge [sflag:s24], $0x1  }
0x1b: {  	[sflag:s24] =	ssyncset.done $0x0  }
0x1c: {  	s26 =	simm.s32 $0x1B8E;
	s25 =	sld [smem:$0x3FFE];
	[sflag:s24] =	ssyncadd.s32 $0xFFFFFFFF  }
0x1d: {  	s27 =	simm.s32 $execute0_lowered;
	[smem:$0x3FD2] =	sst s26  }
0x1e: {  	s5 =	sshll.u32 s27, $0x1;
	_ =	strace $0x80000049;
	[dreg:$0x1] =	wrdreg $0xFFFFFFFF  }
0x1f: {  	s28 =	simm.s32 $_size_execute0_lowered;
	s3 =	sadd.s32 s3, s5;
	[dreg:$0x0] =	wrdreg $0x0  }
0x20: {  	s5 =	sshll.u32 s28, $0x1;
	[dreg:$0x2] =	wrdreg s3  }
0x21: {  	[dreg:$0x3] =	wrdreg s5  }
0x22: {  	[dreg:$0x4] =	wrdreg $0xC0  }
0x23: {  	_ =	task [dreg:s7], $0x5FFFF  }
0x24: {  	[dreg:$0x1] =	wrdreg $0xFFFFFFFF  }
0x25: {  	[dreg:$0x0] =	wrdreg $0x60  }
0x26: {  	[dreg:$0x2] =	wrdreg s25  }
0x27: {  	[dreg:$0x3] =	wrdreg s2  }
0x28: {  	[dreg:$0x4] =	wrdreg $0x9  }
0x29: {  	_ =	task.clear_ibuf [dreg:s7], $0x5FFFF;
	_ =	strace $0x90000049  }
0x2a: {  	s29 =	simm.s32 $0x9;
	_ =	strace $0x8000004B  }
0x2b: {  	_ =	swait.ge [sflag:s29], $0x1  }
0x2c: {  	[sflag:s29] =	ssyncadd.s32 $0xFFFFFFFF  }
0x2d: {  	_ =	strace $0x9000004B  }
0x2e: {  	_ =	sfence  }
0x2f: {  	s30 =	sld [smem:$0x0];
	_ =	sdelay $0x2  }
0x30: {  	s31 =	sshll.u32 s1, $0xD;
	s1 =	sshrl.u32 s1, $0x2  }
0x31: {  	s3 =	sand.u32 $0x4000, s31;
	s1 =	sadd.s32 s1, s30  }
0x32: {  	s0 =	sor.u32 s3, s0;
	s1 =	sshll.u32 s1, $0x11  }
0x33: {  	s0 =	sor.u32 s1, s0  }
0x34: {  	s0 =	sadd.s32 $0x8F2B, s0  }
0x35: {  	[sflag:s0] =	ssyncadd.remote.s32 $0x1  }
0x36: {  	_ =	sfence.sel $0xFFFF  }
0x37: {  	[dreg:$0x0] =	wrdreg $0xFFFFFFFF;
	(pc) =	sbr.abs _section_cstart, $3  }
0x38: {  	[dreg:$0x1] =	wrdreg $0xFFFFFFFF  }
0x39: {  	_ =	task.clear_ibuf [dreg:s7], $0x2FFFF;
	_ =	strace $0x9FFFFFFF  }
0x3a: {  	(tm) =	ssettm $0x7FFFFFFF  }
0x3b: {  	_ =	shalt  }
tec
execute0_lowered:
.L_overlay_start_1:
0x0: {  	(tag) =	ssettag $0x1  }
0x1: {  	s0 =	srdreg.scid  }
0x2: {  	s1 =	sshll.u32 s0, $0x4  }
0x3: {  	s0 =	stileid.u32;
	s1 =	sand.u32 $0x10, s1  }
0x4: {  	s1 =	sor.u32 s0, s1  }
0x5: {  	s6 =	rddreg [dreg:$0x0];
	s4 =	simm.s32 $0x1;
	s2 =	sshll.u32 s1, $0x7  }
0x6: {  	s7 =	simm.s32 $0x2;
	s12 =	simm.s32 $0x0;
	s1 =	ssub.s32 $0x1000, s2  }
0x7: {  	s8 =	simm.s32 $0x8000;
	s13 =	simm.s32 $0x0;
	s3 =	sand.u32 $0xF80, s1  }
0x8: {  	s9 =	simm.s32 $0x0;
	s5 =	sshrl.u32 s1, $0xC;
	p0 =	sne.s32 s3, $0x0  }
.Ltmp0:
0x9: {  	s1 =	rddreg [dreg:$0x2];
	s4 =	simm.s32 @!p0 $0x0;
	(pc) =	sbr.rel .LBB1_1-.Ltmp0, $4  }
0xa: {  	s11 =	simm.s32 $0x0;
	s3 =	rddreg [dreg:$0x1];
	s5 =	sadd.s32 s4, s5  }
0xb: {  	_ =	strace $0x8000004A;
	s4 =	simm.s32 $0x1;
	s5 =	smul.u32 $0x32, s5  }
0xc: {  	s6 =	sadd.s32 $0xA00, s6;
	s10 =	smov.u32 s2;
	[sflag:s4] =	ssyncpa.u1 $0x0  }
0xd: {  	p0 =	por $0x0, $0x0;
	[sflag:s7] =	ssyncpa.u1 $0x0;
	s7 =	sor.u32 $0x1, s5  }
.LBB1_4:
0xe: {  	s16 =	sshll.u32 s13, $0x3;
	s17 =	sand.u32 $0x78, s13  }
0xf: {  	s30 =	sand.u32 $0x7E00, s13;
	s12 =	sshll.u32 s12, $0xF;
	s16 =	sand.u32 $0xC00, s16  }
0x10: {  	[tilespmem:s15+$0x810 ss:$0x81] =	vst.msk $0xffff, v2;
	s31 =	sand.u32 $0x7, s13;
	s16 =	sor.u32 s17, s16;
	s17 =	sadd.s32 s3, s30  }
0x11: {  	[tilespmem:s15+$0x1020 ss:$0x81] =	vst.msk $0xffff, v0;
	s13 =	sshll.u32 s31, $0x12;
	s12 =	sadd.s32 s12, s17;
	s16 =	sshrl.u32 s16, $0x3  }
0x12: {  	[tilespmem:s15+$0x0 ss:$0x81] =	vst.msk $0xffff, v1;
	s13 =	sor.u32 $0x400, s13;
	s12 =	sadd.s32 s16, s12  }
0x13: {  	[hbm4b:s12+s13] =	stream.strided.scatter [tilespmem:s14], [sflag:$0x2], $0x2000, s8, s13, $0x20;
	[tilespmem:$0x8080] =	vst v63  }
.LBB1_5:
0x14: {  	s14 =	sadd.s32 $0x1, s9  }
0x15: {  	s12 =	sadd.s32 $0x1000, s10;
	s16 =	smov.u32 s10;
	p2 =	sgt.s32 s14, $0x31  }
0x16: {  	s16 =	smov.u32 @p2 s12  }
0x17: {  	s14 =	simm.s32 @p2 $0x0;
	p2 =	sgt.s32 s16, $0xFFF  }
0x18: {  	s16 =	smov.u32 @p2 s2;
	p2 =	sne.s32 s11, s7  }
.Ltmp1:
0x19: {  	p1 =	slt.u32 s11, $0x2;
	(pc) =	sbr.rel @!p2 .LBB1_6-.Ltmp1, $4  }
0x1a: {  	s15 =	simm.s32 @!p1 $0x2  }
0x1b: {  	s13 =	smov.u32 s10;
	p0 =	por !p0, !p0;
	_ =	swait.ge @!p1 [sflag:s15], $0x2000  }
0x1c: {  	s12 =	smov.u32 s9;
	[sflag:s15] =	ssyncset.done @!p1 $0x0;
	s9 =	smov.u32 s14  }
0x1d: {  	s11 =	sadd.s32 $0x1, s11;
	[sflag:s15] =	ssyncadd.s32 @!p1 $0xFFFFE000;
	s10 =	smov.u32 s16  }
.LBB1_1:
0x1e: {  	p1 =	sge.u32 s11, s5  }
0x1f: {  	s14 =	sand.u32 @!p1 $0x1FFFFFF, s9  }
0x20: {  	s15 =	smulhi.u32 @!p1 $0x4924925, s14;
	_ =	sdelay $0x1  }
0x21: {  	s15 =	smul.u32 @!p1 $0x38, s15  }
0x22: {  	s16 =	sxor.u32 @!p1 $0xFFFFFFFF, s11;
	s17 =	smul.u32 @!p1 $0x380, s10  }
0x23: {  	s31 =	sadd.s32 $0xFFFFFFFF, s11;
	s16 =	sshll.u32 @!p1 s16, $0xD;
	s14 =	ssub.s32 @!p1 s14, s15  }
0x24: {  	s15 =	sand.u32 @!p1 $0x2000, s16;
	s16 =	sadd.s32 @!p1 s6, s17;
	s14 =	sshll.u32 @!p1 s14, $0x4  }
0x25: {  	s17 =	simm.s32 @!p1 $0x1C00;
	s14 =	sadd.s32 @!p1 s14, s16;
	s16 =	simm.s32 @!p1 $0x40  }
0x26: {  	[tilespmem:s15], [sflag:$0x1] =	stream.strided.gather @!p1 [hbm4b:s14+s16], $0x2000, s17, s16, $0x38;
	[tilespmem:$0x8080] =	vst v63  }
0x27: {  	p1 =	sge.u32 s31, s5  }
.Ltmp2:
0x28: {  	_ = 	snop;
	(pc) =	sbr.rel @p1 .LBB1_5-.Ltmp2, $1  }
0x29: {  	_ =	sdelay $0x3  }
0x2a: {  	s14 =	simm.s32 $0x1  }
0x2b: {  	_ =	swait.ge [sflag:s4], $0x2000;
	s14 =	simm.s32 @!p0 $0x0  }
0x2c: {  	[sflag:s4] =	ssyncset.done $0x0;
	s15 =	sshll.u32 s14, $0xD  }
0x2d: {  	[sflag:s4] =	ssyncadd.s32 $0xFFFFE000;
	s18 =	sor.u32 $0x20, s15  }
0x2e: {  	s14 =	smul.u32 $0x8100, s14;
	v3 =	vld [tilespmem:s18+$0x10]  }
0x2f: {  	s30 =	sand.u32 $0x1, s11;
	v2 =	vld [tilespmem:s18+$0xFFFFFFF0]  }
0x30: {  	s15 =	smul.u32 $0x8100, s30;
	s14 =	sshrl.u32 s14, $0x2;
	v0 =	vld [tilespmem:s18+$0x0]  }
0x31: {  	v1 =	vld [tilespmem:s18+$0xFFFFFFE0];
	s16 =	sor.u32 $0x4000, s14  }
0x32: {  	s31 =	sshrl.u32 s15, $0x2;
	s15 =	sadd.s32 $0x0, s16  }
0x33: {  	s17 =	simm.s32 $0x4;
	s18 =	sadd.s32 $0x40, s18;
	s14 =	sor.u32 $0x4000, s31;
	[tilespmem:s15+$0x1830 ss:$0x81] =	vst.msk $0xffff, v3  }
.LBB1_3:
0x34: {  	v3 =	vld [tilespmem:s18+$0x10];
	p1 =	sne.s32 s17, $0x1FC;
	[tilespmem:s15+$0x810 ss:$0x81] =	vst.msk $0xffff, v2;
	s19 =	smov.u32 s17;
	s17 =	sadd.s32 $0x4, s17  }
.Ltmp3:
0x35: {  	v2 =	vld [tilespmem:s18+$0xFFFFFFF0];
	[tilespmem:s15+$0x1020 ss:$0x81] =	vst.msk $0xffff, v0;
	(pc) =	sbr.rel @p1 .LBB1_3-.Ltmp3, $4  }
0x36: {  	v0 =	vld [tilespmem:s18+$0x0];
	[tilespmem:s15+$0x0 ss:$0x81] =	vst.msk $0xffff, v1  }
0x37: {  	s15 =	sshra.s32 s19, $0x2;
	v1 =	vld [tilespmem:s18+$0xFFFFFFE0]  }
0x38: {  	s15 =	sadd.s32 s15, s16  }
0x39: {  	s18 =	sadd.s32 $0x40, s18;
	[tilespmem:s15+$0x1830 ss:$0x81] =	vst.msk $0xffff, v3  }
.Ltmp4:
0x3a: {  	_ = 	snop;
	(pc) =	sbr.rel .LBB1_4-.Ltmp4, $1  }
0x3b: {  	_ =	sdelay $0x3  }
.LBB1_6:
0x3c: {  	_ =	sfence.sel $0x180000  }
0x3d: {  	s2 =	simm.s32 $0x1;
	[bflag:$0x0] =	sbarrier.arrive $0xFFFF  }
0x3e: {  	s31 =	simm.s32 $0x2;
	[sflag:s2] =	ssyncpa.u1 $0x1  }
0x3f: {  	[sflag:s31] =	ssyncpa.u1 $0x1  }
0x40: {  	p0 =	sne.s32 s0, $0x0;
	_ =	strace $0x9000004A  }
0x41: {  	s0 =	sadd.s32 @!p0 $0x100000, s1;
	[bflag:$0x2] =	sbarrier.arrive $0xFFFF  }
0x42: {  	[sflag:s0] =	ssyncadd.tile.s32 @!p0 $0x1;
	_ =	shalt  }
.Lfunc_end1:
_tile_overlayer_lowered:
.L_overlay_start_2:
0x43: {  	(tag) =	ssettag $0x2  }
0x44: {  	s0 =	rddreg [dreg:$0x0];
	s2 =	stileid.u32  }
0x45: {  	s1 =	rddreg [dreg:$0x1];
	p0 =	sne.s32 s2, $0x0  }
0x46: {  	s3 =	rddreg [dreg:$0x2];
	[bflag:$0x3] =	sbarrier.arrive $0xFFFF;
	s2 =	simm.s32 @!p0 $0x1C01  }
0x47: {  	[timem:s3], [sflag:s2] =	dma.local @!p0 [hbm:s0], s1  }
0x48: {  	s0 =	simm.s32 @!p0 $0x1  }
0x49: {  	_ =	swait.ge @!p0 [sflag:s0], s1  }
0x4a: {  	s1 =	ssub.s32 @!p0 $0x0, s1;
	[sflag:s0] =	ssyncset.done @!p0 $0x0  }
0x4b: {  	[sflag:s0] =	ssyncadd.s32 @!p0 s1  }
0x4c: {  	[bflag:$0x3] =	sbarrier.arrive $0xFFFF  }
0x4d: {  	_ =	shalt  }

</sc_bundles>
